<compile_context>
chip_gen: v7x
topology: tpu7x:2x2x1
jax: 0.10.2.dev20260603
libtpu: 0.0.44.dev20260713+nightly
codegen_flags: <defaults>
</compile_context>

<pallas_src>
import functools

import jax
import jax.numpy as jnp
import numpy as np
from jax import lax
from jax.experimental import pallas as pl
from jax.experimental.pallas import tpu as pltpu
from jax.experimental.pallas import tpu_sc as plsc

_NUM_BUCKETS = 100
_EMBED = 64
_HIDDEN = 128
_ROWS_PER_STEP = 2048
_NW = 32
_CHUNK = 128


def _build_body(nf_ref, nl_ref, ftp_ref, ltp_ref, wf_ref, wl_ref, b_ref,
                t3_ref, idx_ref, pf_ref, pl_ref):
    @pl.when(pl.program_id(0) == 0)
    def _():
        pf_ref[...] = jnp.dot(ftp_ref[...], wf_ref[...],
                              preferred_element_type=jnp.float32) + b_ref[...]
        pl_ref[...] = jnp.dot(ltp_ref[...], wl_ref[...],
                              preferred_element_type=jnp.float32)

    i = pl.program_id(0)
    t3_ref[0] = jnp.tanh(pf_ref[pl.ds(i, 1), :] + pl_ref[...])

    ln_day = jnp.log(jnp.float32(60 * 60 * 24.0))
    scale = jnp.float32(_NUM_BUCKETS / 7)

    def bucketize(x):
        xf = jnp.clip(x.astype(jnp.float32), 1.0, None)
        scaled = jnp.log(xf) / ln_day
        bkt = (scaled * scale).astype(jnp.int32)
        return jnp.clip(bkt, None, _NUM_BUCKETS - 1)

    fb = bucketize(nf_ref[0])
    lb = bucketize(nl_ref[0])
    idx_ref[0] = fb * _HIDDEN + lb


def _sc_gather_body(t_hbm, idx_hbm, out_hbm, idx_v, rows_v, sem_a, sem_b):
    nc = 2
    wid = lax.axis_index("s") * nc + lax.axis_index("c")
    nch = idx_hbm.shape[1]
    b_per_w = nch * _CHUNK
    base = wid * b_per_w
    pltpu.sync_copy(idx_hbm.at[wid], idx_v)

    def gather(c, buf, sem):
        return pltpu.async_copy(t_hbm.at[idx_v.at[c]], rows_v.at[buf], sem)

    gather(0, 0, sem_a)

    def pair(k, carry):
        c = 2 * k
        gather(c + 1, 1, sem_b)
        pltpu.make_async_copy(t_hbm.at[idx_v.at[c]], rows_v.at[0],
                              sem_a).wait()
        pltpu.sync_copy(rows_v.at[0],
                        out_hbm.at[pl.ds(base + c * _CHUNK, _CHUNK)])

        @pl.when(c + 2 < nch)
        def _():
            gather(c + 2, 0, sem_a)

        pltpu.make_async_copy(t_hbm.at[idx_v.at[c + 1]], rows_v.at[1],
                              sem_b).wait()
        pltpu.sync_copy(rows_v.at[1],
                        out_hbm.at[pl.ds(base + (c + 1) * _CHUNK, _CHUNK)])
        return carry

    lax.fori_loop(0, nch // 2, pair, 0)


@jax.jit
def kernel(news_freshness, news_user_topic_lifetime, freshness_table,
           lifetime_table, W, b):
    batch, news = news_freshness.shape
    n = batch * news
    steps = n // _ROWS_PER_STEP

    nf = news_freshness.reshape(steps, 1, _ROWS_PER_STEP)
    nl = news_user_topic_lifetime.reshape(steps, 1, _ROWS_PER_STEP)
    pad = jnp.zeros((_HIDDEN - _NUM_BUCKETS, _EMBED), jnp.float32)
    ftp = jnp.concatenate([freshness_table, pad], axis=0)
    ltp = jnp.concatenate([lifetime_table, pad], axis=0)
    wf = W[:, :_EMBED].T
    wl = W[:, _EMBED:].T
    b2 = b.reshape(1, _HIDDEN)

    t3, idx = pl.pallas_call(
        _build_body,
        grid=(_NUM_BUCKETS,),
        in_specs=[
            pl.BlockSpec((1, 1, _ROWS_PER_STEP), lambda i: (i, 0, 0)),
            pl.BlockSpec((1, 1, _ROWS_PER_STEP), lambda i: (i, 0, 0)),
            pl.BlockSpec((_HIDDEN, _EMBED), lambda i: (0, 0)),
            pl.BlockSpec((_HIDDEN, _EMBED), lambda i: (0, 0)),
            pl.BlockSpec((_EMBED, _HIDDEN), lambda i: (0, 0)),
            pl.BlockSpec((_EMBED, _HIDDEN), lambda i: (0, 0)),
            pl.BlockSpec((1, _HIDDEN), lambda i: (0, 0)),
        ],
        out_specs=[
            pl.BlockSpec((1, _HIDDEN, _HIDDEN), lambda i: (i, 0, 0)),
            pl.BlockSpec((1, 1, _ROWS_PER_STEP), lambda i: (i, 0, 0)),
        ],
        out_shape=[
            jax.ShapeDtypeStruct((_NUM_BUCKETS, _HIDDEN, _HIDDEN), jnp.float32),
            jax.ShapeDtypeStruct((steps, 1, _ROWS_PER_STEP), jnp.int32),
        ],
        scratch_shapes=[
            pltpu.VMEM((_HIDDEN, _HIDDEN), jnp.float32),
            pltpu.VMEM((_HIDDEN, _HIDDEN), jnp.float32),
        ],
        compiler_params=pltpu.CompilerParams(
            dimension_semantics=("arbitrary",),
        ),
    )(nf, nl, ftp, ltp, wf, wl, b2)

    t2 = t3.reshape(_NUM_BUCKETS * _HIDDEN, _HIDDEN)
    b_per_w = n // _NW
    idx3 = idx.reshape(_NW, b_per_w // _CHUNK, _CHUNK)

    mesh = plsc.VectorSubcoreMesh(core_axis_name="c", subcore_axis_name="s")
    sc = functools.partial(
        pl.kernel,
        mesh=mesh,
        out_type=jax.ShapeDtypeStruct((n, _HIDDEN), jnp.float32),
        scratch_types=[
            pltpu.VMEM((b_per_w // _CHUNK, _CHUNK), jnp.int32),
            pltpu.VMEM((2, _CHUNK, _HIDDEN), jnp.float32),
            pltpu.SemaphoreType.DMA,
            pltpu.SemaphoreType.DMA,
        ],
    )(_sc_gather_body)
    out = sc(t2, idx3)
    return out.reshape(batch, news, _HIDDEN)

# --- scband reference (transcript-rebuilt; emitter-appended) ---
"""Pipeline reference for scband-freshness-encoder-70781061038993 (READ-ONLY COPY).

The authoritative reference and input builder live on the scoring server;
editing this copy changes nothing except your own understanding.
"""

import jax, jax.numpy as jnp
import numpy as np

NUM_BUCKETS = 100
EMBED_DIM = 64
HIDDEN_DIM = 128
BATCH = 4096
NEWS_NUM = 50


def setup_inputs(seed: int = 0) -> dict:
    key = jax.random.key(seed)
    k1, k2, k3, k4, k5, k6 = jax.random.split(key, 6)
    news_freshness = jax.random.randint(k1, (BATCH, NEWS_NUM), 0, 604800)
    news_user_topic_lifetime = jax.random.randint(k2, (BATCH, NEWS_NUM), 0, 604800)
    freshness_table = jax.random.normal(k3, (NUM_BUCKETS, EMBED_DIM), dtype=jnp.float32)
    lifetime_table = jax.random.normal(k4, (NUM_BUCKETS, EMBED_DIM), dtype=jnp.float32)
    W = jax.random.normal(k5, (HIDDEN_DIM, EMBED_DIM * 2), dtype=jnp.float32) * (1.0 / np.sqrt(EMBED_DIM * 2))
    b = jax.random.normal(k6, (HIDDEN_DIM,), dtype=jnp.float32) * 0.01
    return {
        "news_freshness": news_freshness,
        "news_user_topic_lifetime": news_user_topic_lifetime,
        "freshness_table": freshness_table,
        "lifetime_table": lifetime_table,
        "W": W,
        "b": b,
    }


def _bucketize(x):
    xf = jnp.clip(x.astype(jnp.float32), 1.0, None)
    log_x = jnp.log(xf)
    scaled = log_x / jnp.log(jnp.float32(60 * 60 * 24.0))
    buckets = (scaled * (NUM_BUCKETS / 7)).astype(jnp.int32)
    buckets = jnp.clip(buckets, None, NUM_BUCKETS - 1)
    return buckets


def reference(news_freshness, news_user_topic_lifetime, freshness_table, lifetime_table, W, b):
    f_bucket = _bucketize(news_freshness)
    l_bucket = _bucketize(news_user_topic_lifetime)
    f_embed = jnp.take(freshness_table, f_bucket, axis=0)
    l_embed = jnp.take(lifetime_table, l_bucket, axis=0)
    concat = jnp.concatenate([f_embed, l_embed], axis=-1)
    output = jnp.tanh(concat @ W.T + b)
    return output

if __name__ == "__main__":
    import jax
    _d = setup_inputs()
    print(jax.jit(kernel)(*tuple(_d.values())))

</pallas_src>

<mosaic_0001>
#map = affine_map<(d0, d1) -> (0, 0)>
#map1 = affine_map<(d0, d1) -> (0, 0, 0)>
module attributes {stable_mosaic.version = 14 : i64} {
  func.func @_sc_gather_body(%arg0: i32, %arg1: i32, %arg2: memref<12800x128xf32, #tpu.memory_space<hbm>>, %arg3: memref<32x50x128xi32, #tpu.memory_space<hbm>>, %arg4: memref<204800x128xf32, #tpu.memory_space<hbm>>, %arg5: memref<50x128xi32, #tpu.memory_space<vmem>>, %arg6: memref<2x128x128xf32, #tpu.memory_space<vmem>>, %arg7: memref<!tpu.dma_semaphore, #tpu.memory_space<semaphore_mem>>, %arg8: memref<!tpu.dma_semaphore, #tpu.memory_space<semaphore_mem>>) attributes {dimension_semantics = [#tpu.dimension_semantics<core_parallel>, #tpu.dimension_semantics<subcore_parallel>], iteration_bounds = array<i64: 2, 16>, scalar_prefetch = 0 : i64, scratch_operands = 4 : i64, tpu.core_type = #tpu.core_type<sc_vector_subcore>, window_params = [{transform_indices = #map}, {transform_indices = #map1}, {transform_indices = #map}]} {
    %mul3A = arith.constant 2 : i32
    %mul3A_0 = arith.muli %arg1, %mul3A : i32
    %add3A = arith.addi %mul3A_0, %arg0 : i32
    %mul3A_1 = arith.constant 6400 : i32
    %mul3A_2 = arith.muli %add3A, %mul3A_1 : i32
    "tpu.region"() ({
      %run_scoped3A = tpu.sem_alloc : memref<!tpu.dma_semaphore, #tpu.memory_space<semaphore_mem>>
      %dma_start3A_19 = arith.constant 0 : i32
      %dma_start3A_20 = arith.constant 0 : i32
      %dma_start3A_21 = tpu.memref_slice %arg3[%add3A, %dma_start3A_19, %dma_start3A_20] : memref<32x50x128xi32, #tpu.memory_space<hbm>> -> memref<1x50x128xi32, #tpu.memory_space<hbm>>
      %dma_start3A_22 = tpu.memref_squeeze %dma_start3A_21 : memref<1x50x128xi32, #tpu.memory_space<hbm>> -> memref<50x128xi32, #tpu.memory_space<hbm>>
      %dma_start3A_23 = arith.constant 0 : i32
      %dma_start3A_24 = arith.constant 0 : i32
      %dma_start3A_25 = tpu.memref_slice %arg3[%add3A, %dma_start3A_23, %dma_start3A_24] : memref<32x50x128xi32, #tpu.memory_space<hbm>> -> memref<1x50x128xi32, #tpu.memory_space<hbm>>
      %dma_start3A_26 = tpu.memref_squeeze %dma_start3A_25 : memref<1x50x128xi32, #tpu.memory_space<hbm>> -> memref<50x128xi32, #tpu.memory_space<hbm>>
      tpu.enqueue_dma source(%dma_start3A_26 : memref<50x128xi32, #tpu.memory_space<hbm>>) target(%arg5 : memref<50x128xi32, #tpu.memory_space<vmem>>) target_semaphore(%run_scoped3A : memref<!tpu.dma_semaphore, #tpu.memory_space<semaphore_mem>>)
      %dma_wait3A = arith.constant 0 : i32
      %dma_wait3A_27 = arith.constant 0 : i32
      %dma_wait3A_28 = tpu.memref_slice %arg3[%add3A, %dma_wait3A, %dma_wait3A_27] : memref<32x50x128xi32, #tpu.memory_space<hbm>> -> memref<1x50x128xi32, #tpu.memory_space<hbm>>
      %dma_wait3A_29 = tpu.memref_squeeze %dma_wait3A_28 : memref<1x50x128xi32, #tpu.memory_space<hbm>> -> memref<50x128xi32, #tpu.memory_space<hbm>>
      %dma_wait3A_30 = arith.constant 0 : i32
      %dma_wait3A_31 = arith.constant 0 : i32
      %dma_wait3A_32 = tpu.memref_slice %arg3[%add3A, %dma_wait3A_30, %dma_wait3A_31] : memref<32x50x128xi32, #tpu.memory_space<hbm>> -> memref<1x50x128xi32, #tpu.memory_space<hbm>>
      %dma_wait3A_33 = tpu.memref_squeeze %dma_wait3A_32 : memref<1x50x128xi32, #tpu.memory_space<hbm>> -> memref<50x128xi32, #tpu.memory_space<hbm>>
      tpu.wait_dma2 semaphore(%run_scoped3A : memref<!tpu.dma_semaphore, #tpu.memory_space<semaphore_mem>>) src(%dma_wait3A_33 : memref<50x128xi32, #tpu.memory_space<hbm>>) dst(%arg5 : memref<50x128xi32, #tpu.memory_space<vmem>>)
      tpu.yield
    }) : () -> ()
    %dma_start3A = arith.constant 0 : i32
    %dma_start3A_3 = arith.constant 0 : i32
    %dma_start3A_4 = arith.constant 0 : i32
    %dma_start3A_5 = arith.constant 0 : i32
    %dma_start3A_6 = tpu.memref_slice %arg6[%dma_start3A_3, %dma_start3A_4, %dma_start3A_5] : memref<2x128x128xf32, #tpu.memory_space<vmem>> -> memref<1x128x128xf32, #tpu.memory_space<vmem>>
    %dma_start3A_7 = tpu.memref_squeeze %dma_start3A_6 : memref<1x128x128xf32, #tpu.memory_space<vmem>> -> memref<128x128xf32, #tpu.memory_space<vmem>>
    %dma_start3A_8 = arith.constant 0 : i32
    %dma_start3A_9 = tpu.memref_slice %arg5[%dma_start3A, %dma_start3A_8] : memref<50x128xi32, #tpu.memory_space<vmem>> -> memref<1x128xi32, #tpu.memory_space<vmem>>
    %dma_start3A_10 = tpu.memref_squeeze %dma_start3A_9 : memref<1x128xi32, #tpu.memory_space<vmem>> -> memref<128xi32, #tpu.memory_space<vmem>>
    %dma_start3A_11 = arith.constant 0 : i32
    %dma_start3A_12 = arith.constant 0 : i32
    %dma_start3A_13 = tpu.memref_slice %arg2[%dma_start3A_11, %dma_start3A_12] : memref<12800x128xf32, #tpu.memory_space<hbm>> -> memref<12800x128xf32, #tpu.memory_space<hbm>>
    tpu.enqueue_indirect_dma source(%dma_start3A_13 : memref<12800x128xf32, #tpu.memory_space<hbm>>) target(%dma_start3A_7 : memref<128x128xf32, #tpu.memory_space<vmem>>) offsets(%dma_start3A_10 : memref<128xi32, #tpu.memory_space<vmem>>) semaphore(%arg7 : memref<!tpu.dma_semaphore, #tpu.memory_space<semaphore_mem>>)
    %scan3A = arith.constant 0 : i32
    %scan3A_14 = arith.constant 0 : i32
    %scan3A_15 = arith.constant 25 : i32
    %scan3A_16 = arith.addi %scan3A_14, %scan3A_15 : i32
    %scan3A_17 = arith.constant 1 : i32
    scf.for %scan3A_19 = %scan3A_14 to %scan3A_16 step %scan3A_17  : i32 {
      %mul3A_20 = arith.constant 2 : i32
      %mul3A_21 = arith.muli %mul3A_20, %scan3A_19 : i32
      %add3A_22 = arith.constant 1 : i32
      %add3A_23 = arith.addi %mul3A_21, %add3A_22 : i32
      %dma_start3A_24 = arith.constant 1 : i32
      %dma_start3A_25 = arith.constant 0 : i32
      %dma_start3A_26 = arith.constant 0 : i32
      %dma_start3A_27 = tpu.memref_slice %arg6[%dma_start3A_24, %dma_start3A_25, %dma_start3A_26] : memref<2x128x128xf32, #tpu.memory_space<vmem>> -> memref<1x128x128xf32, #tpu.memory_space<vmem>>
      %dma_start3A_28 = tpu.memref_squeeze %dma_start3A_27 : memref<1x128x128xf32, #tpu.memory_space<vmem>> -> memref<128x128xf32, #tpu.memory_space<vmem>>
      %dma_start3A_29 = arith.constant 0 : i32
      %dma_start3A_30 = tpu.memref_slice %arg5[%add3A_23, %dma_start3A_29] : memref<50x128xi32, #tpu.memory_space<vmem>> -> memref<1x128xi32, #tpu.memory_space<vmem>>
      %dma_start3A_31 = tpu.memref_squeeze %dma_start3A_30 : memref<1x128xi32, #tpu.memory_space<vmem>> -> memref<128xi32, #tpu.memory_space<vmem>>
      %dma_start3A_32 = arith.constant 0 : i32
      %dma_start3A_33 = arith.constant 0 : i32
      %dma_start3A_34 = tpu.memref_slice %arg2[%dma_start3A_32, %dma_start3A_33] : memref<12800x128xf32, #tpu.memory_space<hbm>> -> memref<12800x128xf32, #tpu.memory_space<hbm>>
      tpu.enqueue_indirect_dma source(%dma_start3A_34 : memref<12800x128xf32, #tpu.memory_space<hbm>>) target(%dma_start3A_28 : memref<128x128xf32, #tpu.memory_space<vmem>>) offsets(%dma_start3A_31 : memref<128xi32, #tpu.memory_space<vmem>>) semaphore(%arg8 : memref<!tpu.dma_semaphore, #tpu.memory_space<semaphore_mem>>)
      %dma_wait3A = arith.constant 0 : i32
      %dma_wait3A_35 = arith.constant 0 : i32
      %dma_wait3A_36 = arith.constant 0 : i32
      %dma_wait3A_37 = tpu.memref_slice %arg6[%dma_wait3A, %dma_wait3A_35, %dma_wait3A_36] : memref<2x128x128xf32, #tpu.memory_space<vmem>> -> memref<1x128x128xf32, #tpu.memory_space<vmem>>
      %dma_wait3A_38 = tpu.memref_squeeze %dma_wait3A_37 : memref<1x128x128xf32, #tpu.memory_space<vmem>> -> memref<128x128xf32, #tpu.memory_space<vmem>>
      %dma_wait3A_39 = arith.constant 0 : i32
      %dma_wait3A_40 = tpu.memref_slice %arg5[%mul3A_21, %dma_wait3A_39] : memref<50x128xi32, #tpu.memory_space<vmem>> -> memref<1x128xi32, #tpu.memory_space<vmem>>
      %dma_wait3A_41 = tpu.memref_squeeze %dma_wait3A_40 : memref<1x128xi32, #tpu.memory_space<vmem>> -> memref<128xi32, #tpu.memory_space<vmem>>
      %dma_wait3A_42 = arith.constant 0 : i32
      %dma_wait3A_43 = arith.constant 0 : i32
      %dma_wait3A_44 = tpu.memref_slice %arg2[%dma_wait3A_42, %dma_wait3A_43] : memref<12800x128xf32, #tpu.memory_space<hbm>> -> memref<12800x128xf32, #tpu.memory_space<hbm>>
      tpu.wait_indirect_dma semaphore(%arg7 : memref<!tpu.dma_semaphore, #tpu.memory_space<semaphore_mem>>) src(%dma_wait3A_44 : memref<12800x128xf32, #tpu.memory_space<hbm>>) dst(%dma_wait3A_38 : memref<128x128xf32, #tpu.memory_space<vmem>>)
      %mul3A_45 = arith.constant 128 : i32
      %mul3A_46 = arith.muli %mul3A_21, %mul3A_45 : i32
      %add3A_47 = arith.addi %mul3A_2, %mul3A_46 : i32
      %run_scoped3A = arith.constant 0 : i32
      "tpu.region"() ({
        %run_scoped3A_71 = tpu.sem_alloc : memref<!tpu.dma_semaphore, #tpu.memory_space<semaphore_mem>>
        %dma_start3A_72 = arith.constant 0 : i32
        %dma_start3A_73 = arith.constant 0 : i32
        %dma_start3A_74 = tpu.memref_slice %arg6[%run_scoped3A, %dma_start3A_72, %dma_start3A_73] : memref<2x128x128xf32, #tpu.memory_space<vmem>> -> memref<1x128x128xf32, #tpu.memory_space<vmem>>
        %dma_start3A_75 = tpu.memref_squeeze %dma_start3A_74 : memref<1x128x128xf32, #tpu.memory_space<vmem>> -> memref<128x128xf32, #tpu.memory_space<vmem>>
        %dma_start3A_76 = arith.constant 0 : i32
        %dma_start3A_77 = tpu.memref_slice %arg4[%add3A_47, %dma_start3A_76] : memref<204800x128xf32, #tpu.memory_space<hbm>> -> memref<128x128xf32, #tpu.memory_space<hbm>>
        %dma_start3A_78 = arith.constant 0 : i32
        %dma_start3A_79 = tpu.memref_slice %arg4[%add3A_47, %dma_start3A_78] : memref<204800x128xf32, #tpu.memory_space<hbm>> -> memref<128x128xf32, #tpu.memory_space<hbm>>
        %dma_start3A_80 = arith.constant 0 : i32
        %dma_start3A_81 = arith.constant 0 : i32
        %dma_start3A_82 = tpu.memref_slice %arg6[%run_scoped3A, %dma_start3A_80, %dma_start3A_81] : memref<2x128x128xf32, #tpu.memory_space<vmem>> -> memref<1x128x128xf32, #tpu.memory_space<vmem>>
        %dma_start3A_83 = tpu.memref_squeeze %dma_start3A_82 : memref<1x128x128xf32, #tpu.memory_space<vmem>> -> memref<128x128xf32, #tpu.memory_space<vmem>>
        tpu.enqueue_dma source(%dma_start3A_83 : memref<128x128xf32, #tpu.memory_space<vmem>>) target(%dma_start3A_79 : memref<128x128xf32, #tpu.memory_space<hbm>>) target_semaphore(%run_scoped3A_71 : memref<!tpu.dma_semaphore, #tpu.memory_space<semaphore_mem>>)
        %dma_wait3A_84 = arith.constant 0 : i32
        %dma_wait3A_85 = arith.constant 0 : i32
        %dma_wait3A_86 = tpu.memref_slice %arg6[%run_scoped3A, %dma_wait3A_84, %dma_wait3A_85] : memref<2x128x128xf32, #tpu.memory_space<vmem>> -> memref<1x128x128xf32, #tpu.memory_space<vmem>>
        %dma_wait3A_87 = tpu.memref_squeeze %dma_wait3A_86 : memref<1x128x128xf32, #tpu.memory_space<vmem>> -> memref<128x128xf32, #tpu.memory_space<vmem>>
        %dma_wait3A_88 = arith.constant 0 : i32
        %dma_wait3A_89 = tpu.memref_slice %arg4[%add3A_47, %dma_wait3A_88] : memref<204800x128xf32, #tpu.memory_space<hbm>> -> memref<128x128xf32, #tpu.memory_space<hbm>>
        %dma_wait3A_90 = arith.constant 0 : i32
        %dma_wait3A_91 = tpu.memref_slice %arg4[%add3A_47, %dma_wait3A_90] : memref<204800x128xf32, #tpu.memory_space<hbm>> -> memref<128x128xf32, #tpu.memory_space<hbm>>
        %dma_wait3A_92 = arith.constant 0 : i32
        %dma_wait3A_93 = arith.constant 0 : i32
        %dma_wait3A_94 = tpu.memref_slice %arg6[%run_scoped3A, %dma_wait3A_92, %dma_wait3A_93] : memref<2x128x128xf32, #tpu.memory_space<vmem>> -> memref<1x128x128xf32, #tpu.memory_space<vmem>>
        %dma_wait3A_95 = tpu.memref_squeeze %dma_wait3A_94 : memref<1x128x128xf32, #tpu.memory_space<vmem>> -> memref<128x128xf32, #tpu.memory_space<vmem>>
        tpu.wait_dma2 semaphore(%run_scoped3A_71 : memref<!tpu.dma_semaphore, #tpu.memory_space<semaphore_mem>>) src(%dma_wait3A_95 : memref<128x128xf32, #tpu.memory_space<vmem>>) dst(%dma_wait3A_91 : memref<128x128xf32, #tpu.memory_space<hbm>>)
        tpu.yield
      }) : () -> ()
      %add3A_48 = arith.constant 2 : i32
      %add3A_49 = arith.addi %mul3A_21, %add3A_48 : i32
      %lt3A = arith.constant 50 : i32
      %lt3A_50 = arith.cmpi slt, %add3A_49, %lt3A : i32
      %convert_element_type3A = arith.extui %lt3A_50 : i1 to i32
      %cond3A = arith.constant 0 : i32
      %cond3A_51 = arith.cmpi ne, %convert_element_type3A, %cond3A : i32
      scf.if %cond3A_51 {
        %add3A_71 = arith.constant 2 : i32
        %add3A_72 = arith.addi %mul3A_21, %add3A_71 : i32
        %dma_start3A_73 = arith.constant 0 : i32
        %dma_start3A_74 = arith.constant 0 : i32
        %dma_start3A_75 = arith.constant 0 : i32
        %dma_start3A_76 = tpu.memref_slice %arg6[%dma_start3A_73, %dma_start3A_74, %dma_start3A_75] : memref<2x128x128xf32, #tpu.memory_space<vmem>> -> memref<1x128x128xf32, #tpu.memory_space<vmem>>
        %dma_start3A_77 = tpu.memref_squeeze %dma_start3A_76 : memref<1x128x128xf32, #tpu.memory_space<vmem>> -> memref<128x128xf32, #tpu.memory_space<vmem>>
        %dma_start3A_78 = arith.constant 0 : i32
        %dma_start3A_79 = tpu.memref_slice %arg5[%add3A_72, %dma_start3A_78] : memref<50x128xi32, #tpu.memory_space<vmem>> -> memref<1x128xi32, #tpu.memory_space<vmem>>
        %dma_start3A_80 = tpu.memref_squeeze %dma_start3A_79 : memref<1x128xi32, #tpu.memory_space<vmem>> -> memref<128xi32, #tpu.memory_space<vmem>>
        %dma_start3A_81 = arith.constant 0 : i32
        %dma_start3A_82 = arith.constant 0 : i32
        %dma_start3A_83 = tpu.memref_slice %arg2[%dma_start3A_81, %dma_start3A_82] : memref<12800x128xf32, #tpu.memory_space<hbm>> -> memref<12800x128xf32, #tpu.memory_space<hbm>>
        tpu.enqueue_indirect_dma source(%dma_start3A_83 : memref<12800x128xf32, #tpu.memory_space<hbm>>) target(%dma_start3A_77 : memref<128x128xf32, #tpu.memory_space<vmem>>) offsets(%dma_start3A_80 : memref<128xi32, #tpu.memory_space<vmem>>) semaphore(%arg7 : memref<!tpu.dma_semaphore, #tpu.memory_space<semaphore_mem>>)
      } else {
      }
      %add3A_52 = arith.constant 1 : i32
      %add3A_53 = arith.addi %mul3A_21, %add3A_52 : i32
      %dma_wait3A_54 = arith.constant 1 : i32
      %dma_wait3A_55 = arith.constant 0 : i32
      %dma_wait3A_56 = arith.constant 0 : i32
      %dma_wait3A_57 = tpu.memref_slice %arg6[%dma_wait3A_54, %dma_wait3A_55, %dma_wait3A_56] : memref<2x128x128xf32, #tpu.memory_space<vmem>> -> memref<1x128x128xf32, #tpu.memory_space<vmem>>
      %dma_wait3A_58 = tpu.memref_squeeze %dma_wait3A_57 : memref<1x128x128xf32, #tpu.memory_space<vmem>> -> memref<128x128xf32, #tpu.memory_space<vmem>>
      %dma_wait3A_59 = arith.constant 0 : i32
      %dma_wait3A_60 = tpu.memref_slice %arg5[%add3A_53, %dma_wait3A_59] : memref<50x128xi32, #tpu.memory_space<vmem>> -> memref<1x128xi32, #tpu.memory_space<vmem>>
      %dma_wait3A_61 = tpu.memref_squeeze %dma_wait3A_60 : memref<1x128xi32, #tpu.memory_space<vmem>> -> memref<128xi32, #tpu.memory_space<vmem>>
      %dma_wait3A_62 = arith.constant 0 : i32
      %dma_wait3A_63 = arith.constant 0 : i32
      %dma_wait3A_64 = tpu.memref_slice %arg2[%dma_wait3A_62, %dma_wait3A_63] : memref<12800x128xf32, #tpu.memory_space<hbm>> -> memref<12800x128xf32, #tpu.memory_space<hbm>>
      tpu.wait_indirect_dma semaphore(%arg8 : memref<!tpu.dma_semaphore, #tpu.memory_space<semaphore_mem>>) src(%dma_wait3A_64 : memref<12800x128xf32, #tpu.memory_space<hbm>>) dst(%dma_wait3A_58 : memref<128x128xf32, #tpu.memory_space<vmem>>)
      %add3A_65 = arith.constant 1 : i32
      %add3A_66 = arith.addi %mul3A_21, %add3A_65 : i32
      %mul3A_67 = arith.constant 128 : i32
      %mul3A_68 = arith.muli %add3A_66, %mul3A_67 : i32
      %add3A_69 = arith.addi %mul3A_2, %mul3A_68 : i32
      %run_scoped3A_70 = arith.constant 1 : i32
      "tpu.region"() ({
        %run_scoped3A_71 = tpu.sem_alloc : memref<!tpu.dma_semaphore, #tpu.memory_space<semaphore_mem>>
        %dma_start3A_72 = arith.constant 0 : i32
        %dma_start3A_73 = arith.constant 0 : i32
        %dma_start3A_74 = tpu.memref_slice %arg6[%run_scoped3A_70, %dma_start3A_72, %dma_start3A_73] : memref<2x128x128xf32, #tpu.memory_space<vmem>> -> memref<1x128x128xf32, #tpu.memory_space<vmem>>
        %dma_start3A_75 = tpu.memref_squeeze %dma_start3A_74 : memref<1x128x128xf32, #tpu.memory_space<vmem>> -> memref<128x128xf32, #tpu.memory_space<vmem>>
        %dma_start3A_76 = arith.constant 0 : i32
        %dma_start3A_77 = tpu.memref_slice %arg4[%add3A_69, %dma_start3A_76] : memref<204800x128xf32, #tpu.memory_space<hbm>> -> memref<128x128xf32, #tpu.memory_space<hbm>>
        %dma_start3A_78 = arith.constant 0 : i32
        %dma_start3A_79 = tpu.memref_slice %arg4[%add3A_69, %dma_start3A_78] : memref<204800x128xf32, #tpu.memory_space<hbm>> -> memref<128x128xf32, #tpu.memory_space<hbm>>
        %dma_start3A_80 = arith.constant 0 : i32
        %dma_start3A_81 = arith.constant 0 : i32
        %dma_start3A_82 = tpu.memref_slice %arg6[%run_scoped3A_70, %dma_start3A_80, %dma_start3A_81] : memref<2x128x128xf32, #tpu.memory_space<vmem>> -> memref<1x128x128xf32, #tpu.memory_space<vmem>>
        %dma_start3A_83 = tpu.memref_squeeze %dma_start3A_82 : memref<1x128x128xf32, #tpu.memory_space<vmem>> -> memref<128x128xf32, #tpu.memory_space<vmem>>
        tpu.enqueue_dma source(%dma_start3A_83 : memref<128x128xf32, #tpu.memory_space<vmem>>) target(%dma_start3A_79 : memref<128x128xf32, #tpu.memory_space<hbm>>) target_semaphore(%run_scoped3A_71 : memref<!tpu.dma_semaphore, #tpu.memory_space<semaphore_mem>>)
        %dma_wait3A_84 = arith.constant 0 : i32
        %dma_wait3A_85 = arith.constant 0 : i32
        %dma_wait3A_86 = tpu.memref_slice %arg6[%run_scoped3A_70, %dma_wait3A_84, %dma_wait3A_85] : memref<2x128x128xf32, #tpu.memory_space<vmem>> -> memref<1x128x128xf32, #tpu.memory_space<vmem>>
        %dma_wait3A_87 = tpu.memref_squeeze %dma_wait3A_86 : memref<1x128x128xf32, #tpu.memory_space<vmem>> -> memref<128x128xf32, #tpu.memory_space<vmem>>
        %dma_wait3A_88 = arith.constant 0 : i32
        %dma_wait3A_89 = tpu.memref_slice %arg4[%add3A_69, %dma_wait3A_88] : memref<204800x128xf32, #tpu.memory_space<hbm>> -> memref<128x128xf32, #tpu.memory_space<hbm>>
        %dma_wait3A_90 = arith.constant 0 : i32
        %dma_wait3A_91 = tpu.memref_slice %arg4[%add3A_69, %dma_wait3A_90] : memref<204800x128xf32, #tpu.memory_space<hbm>> -> memref<128x128xf32, #tpu.memory_space<hbm>>
        %dma_wait3A_92 = arith.constant 0 : i32
        %dma_wait3A_93 = arith.constant 0 : i32
        %dma_wait3A_94 = tpu.memref_slice %arg6[%run_scoped3A_70, %dma_wait3A_92, %dma_wait3A_93] : memref<2x128x128xf32, #tpu.memory_space<vmem>> -> memref<1x128x128xf32, #tpu.memory_space<vmem>>
        %dma_wait3A_95 = tpu.memref_squeeze %dma_wait3A_94 : memref<1x128x128xf32, #tpu.memory_space<vmem>> -> memref<128x128xf32, #tpu.memory_space<vmem>>
        tpu.wait_dma2 semaphore(%run_scoped3A_71 : memref<!tpu.dma_semaphore, #tpu.memory_space<semaphore_mem>>) src(%dma_wait3A_95 : memref<128x128xf32, #tpu.memory_space<vmem>>) dst(%dma_wait3A_91 : memref<128x128xf32, #tpu.memory_space<hbm>>)
        tpu.yield
      }) : () -> ()
    }
    %scan3A_18 = arith.constant 25 : i32
    return
  }
}

module attributes {stable_mosaic.version = 14 : i64} {
  func.func @_build_body(%arg0: i32, %arg1: memref<1x1x2048xi32, #tpu.memory_space<vmem>>, %arg2: memref<1x1x2048xi32, #tpu.memory_space<vmem>>, %arg3: memref<128x64xf32, #tpu.memory_space<vmem>>, %arg4: memref<128x64xf32, #tpu.memory_space<vmem>>, %arg5: memref<64x128xf32, #tpu.memory_space<vmem>>, %arg6: memref<64x128xf32, #tpu.memory_space<vmem>>, %arg7: memref<1x128xf32, #tpu.memory_space<vmem>>, %arg8: memref<1x128x128xf32, #tpu.memory_space<vmem>>, %arg9: memref<1x1x2048xi32, #tpu.memory_space<vmem>>, %arg10: memref<128x128xf32, #tpu.memory_space<vmem>>, %arg11: memref<128x128xf32, #tpu.memory_space<vmem>>) attributes {dimension_semantics = [#tpu.dimension_semantics<arbitrary>], iteration_bounds = array<i64: 100>, scalar_prefetch = 0 : i64, scratch_operands = 2 : i64, tpu.core_type = #tpu.core_type<tc>, window_params = [{transform_indices = @transform_0, window_bounds = array<i64: 1, 1, 2048>}, {transform_indices = @transform_1, window_bounds = array<i64: 1, 1, 2048>}, {pipeline_mode = #tpu.pipeline_mode<synchronous>, transform_indices = @transform_2, window_bounds = array<i64: 128, 64>}, {pipeline_mode = #tpu.pipeline_mode<synchronous>, transform_indices = @transform_3, window_bounds = array<i64: 128, 64>}, {pipeline_mode = #tpu.pipeline_mode<synchronous>, transform_indices = @transform_4, window_bounds = array<i64: 64, 128>}, {pipeline_mode = #tpu.pipeline_mode<synchronous>, transform_indices = @transform_5, window_bounds = array<i64: 64, 128>}, {pipeline_mode = #tpu.pipeline_mode<synchronous>, transform_indices = @transform_6, window_bounds = array<i64: 1, 128>}, {transform_indices = @transform_7, window_bounds = array<i64: 1, 128, 128>}, {transform_indices = @transform_8, window_bounds = array<i64: 1, 1, 2048>}]} {
    %eq3A = arith.constant 0 : i32
    %eq3A_0 = arith.cmpi eq, %arg0, %eq3A : i32
    %convert_element_type3A = arith.extui %eq3A_0 : i1 to i32
    %cond3A = arith.constant 0 : i32
    %cond3A_1 = arith.cmpi ne, %convert_element_type3A, %cond3A : i32
    scf.if %cond3A_1 {
      %get3A_57 = arith.constant 0 : index
      %get3A_58 = arith.constant 0 : index
      %get3A_59 = vector.load %arg3[%get3A_57, %get3A_58] : memref<128x64xf32, #tpu.memory_space<vmem>>, vector<128x64xf32>
      %get3A_60 = arith.constant 0 : index
      %get3A_61 = arith.constant 0 : index
      %get3A_62 = vector.load %arg5[%get3A_60, %get3A_61] : memref<64x128xf32, #tpu.memory_space<vmem>>, vector<64x128xf32>
      %dot_general3A = arith.constant dense<0.000000e+00> : vector<128x128xf32>
      %dot_general3A_63 = tpu.matmul %get3A_59, %get3A_62, %dot_general3A {dimension_numbers = #tpu.dot_dimension_numbers<[1], [0], [0], [1], [0, 0, 1, 1], [], []>, transpose_lhs_hint = false} : vector<128x64xf32>, vector<64x128xf32>, vector<128x128xf32> -> vector<128x128xf32>
      %get3A_64 = arith.constant 0 : index
      %get3A_65 = arith.constant 0 : index
      %get3A_66 = vector.load %arg7[%get3A_64, %get3A_65] : memref<1x128xf32, #tpu.memory_space<vmem>>, vector<1x128xf32>
      %add3A_67 = vector.broadcast %get3A_66 : vector<1x128xf32> to vector<128x128xf32>
      %add3A_68 = arith.addf %dot_general3A_63, %add3A_67 : vector<128x128xf32>
      %swap3A_69 = arith.constant 0 : index
      %swap3A_70 = arith.constant 0 : index
      %swap3A_71 = vector.load %arg10[%swap3A_69, %swap3A_70] : memref<128x128xf32, #tpu.memory_space<vmem>>, vector<128x128xf32>
      tpu.vector_store %arg10[%swap3A_69, %swap3A_70], %add3A_68 {strides = array<i32>} : memref<128x128xf32, #tpu.memory_space<vmem>>, vector<128x128xf32>,
      %get3A_72 = arith.constant 0 : index
      %get3A_73 = arith.constant 0 : index
      %get3A_74 = vector.load %arg4[%get3A_72, %get3A_73] : memref<128x64xf32, #tpu.memory_space<vmem>>, vector<128x64xf32>
      %get3A_75 = arith.constant 0 : index
      %get3A_76 = arith.constant 0 : index
      %get3A_77 = vector.load %arg6[%get3A_75, %get3A_76] : memref<64x128xf32, #tpu.memory_space<vmem>>, vector<64x128xf32>
      %dot_general3A_78 = arith.constant dense<0.000000e+00> : vector<128x128xf32>
      %dot_general3A_79 = tpu.matmul %get3A_74, %get3A_77, %dot_general3A_78 {dimension_numbers = #tpu.dot_dimension_numbers<[1], [0], [0], [1], [0, 0, 1, 1], [], []>, transpose_lhs_hint = false} : vector<128x64xf32>, vector<64x128xf32>, vector<128x128xf32> -> vector<128x128xf32>
      %swap3A_80 = arith.constant 0 : index
      %swap3A_81 = arith.constant 0 : index
      %swap3A_82 = vector.load %arg11[%swap3A_80, %swap3A_81] : memref<128x128xf32, #tpu.memory_space<vmem>>, vector<128x128xf32>
      tpu.vector_store %arg11[%swap3A_80, %swap3A_81], %dot_general3A_79 {strides = array<i32>} : memref<128x128xf32, #tpu.memory_space<vmem>>, vector<128x128xf32>,
    } else {
    }
    %get3A = arith.index_cast %arg0 : i32 to index
    %get3A_2 = arith.constant 0 : index
    %get3A_3 = vector.load %arg10[%get3A, %get3A_2] : memref<128x128xf32, #tpu.memory_space<vmem>>, vector<1x128xf32>
    %get3A_4 = arith.constant 0 : index
    %get3A_5 = arith.constant 0 : index
    %get3A_6 = vector.load %arg11[%get3A_4, %get3A_5] : memref<128x128xf32, #tpu.memory_space<vmem>>, vector<128x128xf32>
    %add3A = vector.broadcast %get3A_3 : vector<1x128xf32> to vector<128x128xf32>
    %add3A_7 = arith.addf %add3A, %get3A_6 : vector<128x128xf32>
    %tanh3A = math.tanh %add3A_7 : vector<128x128xf32>
    %swap3A = arith.constant 0 : index
    %swap3A_8 = arith.constant 0 : index
    %swap3A_9 = arith.constant 0 : index
    %swap3A_10 = vector.load %arg8[%swap3A, %swap3A_8, %swap3A_9] : memref<1x128x128xf32, #tpu.memory_space<vmem>>, vector<1x128x128xf32>
    %swap3A_11 = vector.shape_cast %swap3A_10 : vector<1x128x128xf32> to vector<128x128xf32>
    %swap3A_12 = vector.shape_cast %tanh3A : vector<128x128xf32> to vector<1x128x128xf32>
    tpu.vector_store %arg8[%swap3A, %swap3A_8, %swap3A_9], %swap3A_12 {strides = array<i32>} : memref<1x128x128xf32, #tpu.memory_space<vmem>>, vector<1x128x128xf32>,
    %log3A = arith.constant 8.640000e+04 : f32
    %log3A_13 = math.log %log3A : f32
    %get3A_14 = arith.constant 0 : index
    %get3A_15 = arith.constant 0 : index
    %get3A_16 = arith.constant 0 : index
    %get3A_17 = vector.load %arg1[%get3A_14, %get3A_15, %get3A_16] : memref<1x1x2048xi32, #tpu.memory_space<vmem>>, vector<1x1x2048xi32>
    %get3A_18 = vector.shape_cast %get3A_17 : vector<1x1x2048xi32> to vector<1x2048xi32>
    %convert_element_type3A_19 = arith.sitofp %get3A_18 : vector<1x2048xi32> to vector<1x2048xf32>
    %jit3A = arith.constant 1.000000e+00 : f32
    %max3A = vector.broadcast %jit3A : f32 to vector<1x2048xf32>
    %max3A_20 = arith.maximumf %max3A, %convert_element_type3A_19 : vector<1x2048xf32>
    %log3A_21 = math.log %max3A_20 : vector<1x2048xf32>
    %div3A = vector.broadcast %log3A_13 : f32 to vector<1x2048xf32>
    %div3A_22 = arith.divf %log3A_21, %div3A : vector<1x2048xf32>
    %mul3A = arith.constant 14.2857141 : f32
    %mul3A_23 = vector.broadcast %mul3A : f32 to vector<1x2048xf32>
    %mul3A_24 = arith.mulf %div3A_22, %mul3A_23 : vector<1x2048xf32>
    %convert_element_type3A_25 = arith.fptosi %mul3A_24 : vector<1x2048xf32> to vector<1x2048xi32>
    %jit3A_26 = arith.constant 99 : i32
    %min3A = vector.broadcast %jit3A_26 : i32 to vector<1x2048xi32>
    %min3A_27 = arith.minsi %min3A, %convert_element_type3A_25 : vector<1x2048xi32>
    %get3A_28 = arith.constant 0 : index
    %get3A_29 = arith.constant 0 : index
    %get3A_30 = arith.constant 0 : index
    %get3A_31 = vector.load %arg2[%get3A_28, %get3A_29, %get3A_30] : memref<1x1x2048xi32, #tpu.memory_space<vmem>>, vector<1x1x2048xi32>
    %get3A_32 = vector.shape_cast %get3A_31 : vector<1x1x2048xi32> to vector<1x2048xi32>
    %convert_element_type3A_33 = arith.sitofp %get3A_32 : vector<1x2048xi32> to vector<1x2048xf32>
    %jit3A_34 = arith.constant 1.000000e+00 : f32
    %max3A_35 = vector.broadcast %jit3A_34 : f32 to vector<1x2048xf32>
    %max3A_36 = arith.maximumf %max3A_35, %convert_element_type3A_33 : vector<1x2048xf32>
    %log3A_37 = math.log %max3A_36 : vector<1x2048xf32>
    %div3A_38 = vector.broadcast %log3A_13 : f32 to vector<1x2048xf32>
    %div3A_39 = arith.divf %log3A_37, %div3A_38 : vector<1x2048xf32>
    %mul3A_40 = arith.constant 14.2857141 : f32
    %mul3A_41 = vector.broadcast %mul3A_40 : f32 to vector<1x2048xf32>
    %mul3A_42 = arith.mulf %div3A_39, %mul3A_41 : vector<1x2048xf32>
    %convert_element_type3A_43 = arith.fptosi %mul3A_42 : vector<1x2048xf32> to vector<1x2048xi32>
    %jit3A_44 = arith.constant 99 : i32
    %min3A_45 = vector.broadcast %jit3A_44 : i32 to vector<1x2048xi32>
    %min3A_46 = arith.minsi %min3A_45, %convert_element_type3A_43 : vector<1x2048xi32>
    %mul3A_47 = arith.constant 128 : i32
    %mul3A_48 = vector.broadcast %mul3A_47 : i32 to vector<1x2048xi32>
    %mul3A_49 = arith.muli %min3A_27, %mul3A_48 : vector<1x2048xi32>
    %add3A_50 = arith.addi %mul3A_49, %min3A_46 : vector<1x2048xi32>
    %swap3A_51 = arith.constant 0 : index
    %swap3A_52 = arith.constant 0 : index
    %swap3A_53 = arith.constant 0 : index
    %swap3A_54 = vector.load %arg9[%swap3A_51, %swap3A_52, %swap3A_53] : memref<1x1x2048xi32, #tpu.memory_space<vmem>>, vector<1x1x2048xi32>
    %swap3A_55 = vector.shape_cast %swap3A_54 : vector<1x1x2048xi32> to vector<1x2048xi32>
    %swap3A_56 = vector.shape_cast %add3A_50 : vector<1x2048xi32> to vector<1x1x2048xi32>
    tpu.vector_store %arg9[%swap3A_51, %swap3A_52, %swap3A_53], %swap3A_56 {strides = array<i32>} : memref<1x1x2048xi32, #tpu.memory_space<vmem>>, vector<1x1x2048xi32>,
    return
  }
  func.func @transform_0(%arg0: i32) -> (i32, i32, i32) {
    %c0_i32 = arith.constant 0 : i32
    %c0_i32_0 = arith.constant 0 : i32
    %c0_i32_1 = arith.constant 0 : i32
    return %arg0, %c0_i32, %c0_i32_0 : i32, i32, i32
  }
  func.func @transform_1(%arg0: i32) -> (i32, i32, i32) {
    %c0_i32 = arith.constant 0 : i32
    %c0_i32_0 = arith.constant 0 : i32
    %c0_i32_1 = arith.constant 0 : i32
    return %arg0, %c0_i32, %c0_i32_0 : i32, i32, i32
  }
  func.func @transform_2(%arg0: i32) -> (i32, i32) {
    %c0_i32 = arith.constant 0 : i32
    %c0_i32_0 = arith.constant 0 : i32
    %c0_i32_1 = arith.constant 0 : i32
    return %c0_i32, %c0_i32_0 : i32, i32
  }
  func.func @transform_3(%arg0: i32) -> (i32, i32) {
    %c0_i32 = arith.constant 0 : i32
    %c0_i32_0 = arith.constant 0 : i32
    %c0_i32_1 = arith.constant 0 : i32
    return %c0_i32, %c0_i32_0 : i32, i32
  }
  func.func @transform_4(%arg0: i32) -> (i32, i32) {
    %c0_i32 = arith.constant 0 : i32
    %c0_i32_0 = arith.constant 0 : i32
    %c0_i32_1 = arith.constant 0 : i32
    return %c0_i32, %c0_i32_0 : i32, i32
  }
  func.func @transform_5(%arg0: i32) -> (i32, i32) {
    %c0_i32 = arith.constant 0 : i32
    %c0_i32_0 = arith.constant 0 : i32
    %c0_i32_1 = arith.constant 0 : i32
    return %c0_i32, %c0_i32_0 : i32, i32
  }
  func.func @transform_6(%arg0: i32) -> (i32, i32) {
    %c0_i32 = arith.constant 0 : i32
    %c0_i32_0 = arith.constant 0 : i32
    %c0_i32_1 = arith.constant 0 : i32
    return %c0_i32, %c0_i32_0 : i32, i32
  }
  func.func @transform_7(%arg0: i32) -> (i32, i32, i32) {
    %c0_i32 = arith.constant 0 : i32
    %c0_i32_0 = arith.constant 0 : i32
    %c0_i32_1 = arith.constant 0 : i32
    return %arg0, %c0_i32, %c0_i32_0 : i32, i32, i32
  }
  func.func @transform_8(%arg0: i32) -> (i32, i32, i32) {
    %c0_i32 = arith.constant 0 : i32
    %c0_i32_0 = arith.constant 0 : i32
    %c0_i32_1 = arith.constant 0 : i32
    return %arg0, %c0_i32, %c0_i32_0 : i32, i32, i32
  }
}

</mosaic_0001>

<sc_bundles>
// kernel: kernel.4.cloned.1.call-start
scs
__scs_entry_jumppad:
0x0: {  	(pc) =	sbr.rel $0x88, $3  }
0x1: {  	(tag) =	ssettag $0x0;
	lr =	simm.s32 $0x1  }
0x2: {  	[smem:$0x3F9B] =	sst lr;
	_ =	strace $0xD0000000  }
0x3: {  	_ = 	snop  }
0x4: {  	_ = 	snop  }
0x5: {  	_ = 	snop  }
0x6: {  	_ = 	snop  }
0x7: {  	_ = 	snop  }
__scs_overlays_trampoline_lowered:
0x8: {  	[smem:$0x3FAA] =	sst s0  }
0x9: {  	[smem:$0x3FAB] =	sst s1  }
0xa: {  	[smem:$0x3FAC] =	sst s2  }
0xb: {  	[smem:$0x3FAD] =	sst s3  }
0xc: {  	[smem:$0x3FAE] =	sst s4  }
0xd: {  	[smem:$0x3FAF] =	sst s5  }
0xe: {  	[smem:$0x3FB0] =	sst s6  }
0xf: {  	[smem:$0x3FB1] =	sst s7  }
0x10: {  	[smem:$0x3FB2] =	sst s8  }
0x11: {  	[smem:$0x3FB3] =	sst s9;
	s0 =	simm.s32 @!p0 $0x0  }
0x12: {  	s1 =	sld [smem:$0x3F99];
	s0 =	simm.s32 @p0 $0x1  }
0x13: {  	[smem:$0x3FB4] =	sst s0;
	s0 =	simm.s32 @!p1 $0x0  }
0x14: {  	s2 =	sld [smem:$0x3F98];
	s0 =	simm.s32 @p1 $0x1  }
0x15: {  	[smem:$0x3FB5] =	sst s0;
	s0 =	simm.s32 @!p2 $0x0  }
0x16: {  	s3 =	sld [smem:$0x3FDB];
	s0 =	simm.s32 @p2 $0x1  }
0x17: {  	s4 =	simm.s32 $0x1BF5;
	[smem:$0x3FB7] =	sst s0  }
0x18: {  	s0 =	sld [smem:$0x3F9A];
	_ =	swait.ge [sflag:s4], $0x0  }
0x19: {  	s7 =	sld [smem:$0x3F9B]  }
0x1a: {  	s8 =	sadd.s32 $0xFFFFE003, lr  }
0x1b: {  	s9 =	sadd.s32 $0xFFFFFEF7, lr;
	s5 =	simm.s32 $0xFFFFFFFF;
	p2 =	slt.u32 s8, $0xFFFFF086  }
0x1c: {  	p1 =	slt.u32 s9, $0xF7A;
	s5 =	simm.s32 @!p2 $0x0  }
0x1d: {  	s5 =	simm.s32 @p1 $0x1;
	p0 =	seq.s32 s7, s2  }
0x1e: {  	s7 =	smul.u32 @!p0 $0xF7A, s2;
	p2 =	seq.s32 @!p0 s5, $0x0  }
0x1f: {  	s9 =	smul.u32 $0xF7A, s1;
	s8 =	simm.s32 @!p0 $0x1BF5;
	p2 =	por !p2, p0  }
0x20: {  	[sflag:s8] =	ssyncset.s32 @!p0 $0xFFFFF086;
	s6 =	sadd.s32 @!p0 s3, s7;
	s7 =	simm.s32 @!p0 $0x108  }
0x21: {  	s3 =	sadd.s32 s3, s9;
	s6 =	sadd.s32 @!p0 $0x88, s6;
	s7 =	simm.s32 @p2 $0x1082  }
0x22: {  	[simem:s7], [sflag:s8] =	dma.local @!p0 [hbm:s6], $0xF7A  }
0x23: {  	s9 =	sor.u32 $0xD0000000, s2;
	s6 =	simm.s32 $0x108;
	_ =	swait.ge @!p0 [sflag:s8], $0x0  }
0x24: {  	s3 =	sadd.s32 $0x88, s3;
	s6 =	simm.s32 @!p1 $0x1082;
	[sflag:s4] =	ssyncset.s32 $0xFFFFF086  }
0x25: {  	[simem:s6], [sflag:s4] =	dma.local [hbm:s3], $0xF7A  }
0x26: {  	[smem:$0x3F9B] =	sst s1;
	(tag) =	ssettag s2;
	_ =	strace s9  }
0x27: {  	s1 =	sld [smem:$0x3FAB]  }
0x28: {  	s2 =	sld [smem:$0x3FAC]  }
0x29: {  	s4 =	sld [smem:$0x3FAE]  }
0x2a: {  	p0 =	seq.s32 s5, $0x0;
	s5 =	sld [smem:$0x3FAF]  }
0x2b: {  	s6 =	sld [smem:$0x3FB0]  }
0x2c: {  	s7 =	sld [smem:$0x3FB1]  }
0x2d: {  	s3 =	simm.s32 $0x108;
	s8 =	sld [smem:$0x3FB2]  }
0x2e: {  	s3 =	simm.s32 @!p0 $0x1082;
	s9 =	sld [smem:$0x3FB3]  }
0x2f: {  	lr =	sadd.s32 s0, s3;
	s0 =	sld [smem:$0x3FAA]  }
0x30: {  	s3 =	sld [smem:$0x3FAD]  }
0x31: {  	[smem:$0x3FB6] =	sst s10  }
0x32: {  	s10 =	sld [smem:$0x3FB4];
	_ =	sdelay $0x3  }
0x33: {  	p0 =	seq.s32 s10, $0x1;
	s10 =	sld [smem:$0x3FB6];
	_ =	sdelay $0x3  }
0x34: {  	[smem:$0x3FB6] =	sst s10  }
0x35: {  	s10 =	sld [smem:$0x3FB5];
	_ =	sdelay $0x3  }
0x36: {  	p1 =	seq.s32 s10, $0x1;
	s10 =	sld [smem:$0x3FB6];
	_ =	sdelay $0x3  }
0x37: {  	[smem:$0x3FB6] =	sst s10  }
0x38: {  	s10 =	sld [smem:$0x3FB7]  }
0x39: {  	_ = 	snop;
	(pc) =	sbr.ind lr, $3  }
0x3a: {  	_ = 	snop  }
0x3b: {  	_ = 	snop  }
0x3c: {  	p2 =	seq.s32 s10, $0x1;
	s10 =	sld [smem:$0x3FB6]  }
0x3d: {  	_ =	shalt  }
0x3e: {  	_ =	shalt  }
0x3f: {  	_ =	shalt  }
0x40: {  	_ =	shalt  }
0x41: {  	_ =	shalt  }
0x42: {  	_ =	shalt  }
0x43: {  	_ =	shalt  }
0x44: {  	_ =	shalt  }
0x45: {  	_ =	shalt  }
0x46: {  	_ =	shalt  }
0x47: {  	_ =	shalt  }
0x48: {  	_ =	shalt  }
0x49: {  	_ =	shalt  }
0x4a: {  	_ =	shalt  }
0x4b: {  	_ =	shalt  }
0x4c: {  	_ =	shalt  }
0x4d: {  	_ =	shalt  }
0x4e: {  	_ =	shalt  }
0x4f: {  	_ =	shalt  }
0x50: {  	_ =	shalt  }
0x51: {  	_ =	shalt  }
0x52: {  	_ =	shalt  }
0x53: {  	_ =	shalt  }
0x54: {  	_ =	shalt  }
0x55: {  	_ =	shalt  }
0x56: {  	_ =	shalt  }
0x57: {  	_ =	shalt  }
0x58: {  	_ =	shalt  }
0x59: {  	_ =	shalt  }
0x5a: {  	_ =	shalt  }
0x5b: {  	_ =	shalt  }
0x5c: {  	_ =	shalt  }
0x5d: {  	_ =	shalt  }
0x5e: {  	_ =	shalt  }
0x5f: {  	_ =	shalt  }
0x60: {  	_ =	shalt  }
0x61: {  	_ =	shalt  }
0x62: {  	_ =	shalt  }
0x63: {  	_ =	shalt  }
0x64: {  	_ =	shalt  }
0x65: {  	_ =	shalt  }
0x66: {  	_ =	shalt  }
0x67: {  	_ =	shalt  }
0x68: {  	_ =	shalt  }
0x69: {  	_ =	shalt  }
0x6a: {  	_ =	shalt  }
0x6b: {  	_ =	shalt  }
0x6c: {  	_ =	shalt  }
0x6d: {  	_ =	shalt  }
0x6e: {  	_ =	shalt  }
0x6f: {  	_ =	shalt  }
0x70: {  	_ =	shalt  }
0x71: {  	_ =	shalt  }
0x72: {  	_ =	shalt  }
0x73: {  	_ =	shalt  }
0x74: {  	_ =	shalt  }
0x75: {  	_ =	shalt  }
0x76: {  	_ =	shalt  }
0x77: {  	_ =	shalt  }
0x78: {  	_ =	shalt  }
0x79: {  	_ =	shalt  }
0x7a: {  	_ =	shalt  }
0x7b: {  	_ =	shalt  }
0x7c: {  	_ =	shalt  }
0x7d: {  	_ =	shalt  }
0x7e: {  	_ =	shalt  }
0x7f: {  	_ =	shalt  }
0x80: {  	_ =	shalt  }
0x81: {  	_ =	shalt  }
0x82: {  	_ =	shalt  }
0x83: {  	_ =	shalt  }
0x84: {  	_ =	shalt  }
0x85: {  	_ =	shalt  }
0x86: {  	_ =	shalt  }
0x87: {  	_ =	shalt  }
.Lfunc_end0:
.L_simem_size_0:
called_computation.1_lowered:
.L_overlay_start_0:
0x88: {  	s2 =	sld [smem:$0x3FD9]  }
0x89: {  	s3 =	sld [smem:$0x3FFE];
	_ =	sdelay $0x1  }
0x8a: {  	s1 =	srdreg.scid  }
0x8b: {  	s0 =	sand.u32 $0x1, s1  }
0x8c: {  	s17 =	sshll.u32 s0, $0xA;
	s2 =	sadd.s32 s3, s2  }
0x8d: {  	s2 =	sadd.s32 s2, s17  }
0x8e: {  	[smem:$0x3FC2] =	sst s2  }
0x8f: {  	_ = 	snop  }
0x90: {  	s2 =	sld [smem:$0x3FD0];
	(tm) =	ssettm $0x1  }
0x91: {  	s18 =	sld [smem:$0x3FFB];
	_ =	sdelay $0x3  }
0x92: {  	_ =	strace s18  }
0x93: {  	s3 =	sld [smem:$0x3FFC];
	_ =	sdelay $0x3  }
0x94: {  	_ =	strace s3  }
0x95: {  	s3 =	sld [smem:$0x3FFD];
	_ =	sdelay $0x3  }
0x96: {  	_ =	strace s3  }
0x97: {  	_ =	strace $0x8FFFFFFF  }
0x98: {  	s19 =	sld [smem:$0x3FDB];
	_ =	sdelay $0x1  }
0x99: {  	s4 =	simm.s32 $_scs_section_size  }
0x9a: {  	s5 =	simm.s32 $_size__tile_overlayer_lowered;
	s6 =	simm.s32 $_tile_overlayer_lowered  }
0x9b: {  	s22 =	simm.s32 $0x1BFF;
	s21 =	sshll.u32 s6, $0x1;
	s3 =	sadd.s32 s4, s19  }
0x9c: {  	s7 =	simm.s32 $0x0;
	s20 =	sshll.u32 s5, $0x1;
	s5 =	sadd.s32 s21, s3  }
0x9d: {  	[timem:s7], [sflag:s22] =	dma.local [hbm:s5], s20  }
0x9e: {  	_ =	swait.ge [sflag:s22], s20  }
0x9f: {  	s4 =	ssub.s32 $0x0, s20;
	[sflag:s22] =	ssyncset.done $0x0  }
0xa0: {  	[sflag:s22] =	ssyncadd.s32 s4;
	_ =	sdelay $0x1  }
0xa1: {  	s23 =	simm.s32 $0x1B8B  }
0xa2: {  	_ =	swait.ge [sflag:s23], $0x1  }
0xa3: {  	[sflag:s23] =	ssyncset.done $0x0  }
0xa4: {  	s25 =	simm.s32 $0x1B8E;
	s24 =	sld [smem:$0x3FFE];
	[sflag:s23] =	ssyncadd.s32 $0xFFFFFFFF  }
0xa5: {  	s26 =	simm.s32 $execute0_lowered;
	[smem:$0x3FD2] =	sst s25  }
0xa6: {  	s5 =	sshll.u32 s26, $0x1;
	_ =	strace $0x80000046;
	[dreg:$0x1] =	wrdreg $0xFFFFFFFF  }
0xa7: {  	s28 =	simm.s32 $_size_execute0_lowered;
	s3 =	sadd.s32 s3, s5;
	[dreg:$0x0] =	wrdreg $0x0  }
0xa8: {  	s5 =	sshll.u32 s28, $0x1;
	[dreg:$0x2] =	wrdreg s3  }
0xa9: {  	[dreg:$0x3] =	wrdreg s5  }
0xaa: {  	[dreg:$0x4] =	wrdreg $0xC0  }
0xab: {  	_ =	task [dreg:s7], $0x5FFFF  }
0xac: {  	[dreg:$0x1] =	wrdreg $0xFFFFFFFF  }
0xad: {  	[dreg:$0x0] =	wrdreg $0x60  }
0xae: {  	[dreg:$0x2] =	wrdreg s24  }
0xaf: {  	[dreg:$0x3] =	wrdreg s2  }
0xb0: {  	[dreg:$0x4] =	wrdreg $0x9  }
0xb1: {  	_ =	task.clear_ibuf [dreg:s7], $0x5FFFF;
	_ =	strace $0x90000046  }
0xb2: {  	s29 =	simm.s32 $0x9;
	_ =	strace $0x80000048  }
0xb3: {  	_ =	swait.ge [sflag:s29], $0x1  }
0xb4: {  	[sflag:s29] =	ssyncadd.s32 $0xFFFFFFFF  }
0xb5: {  	_ =	strace $0x90000048  }
0xb6: {  	_ =	sfence  }
0xb7: {  	s30 =	sld [smem:$0x0];
	_ =	sdelay $0x2  }
0xb8: {  	s31 =	sshll.u32 s1, $0xD;
	s1 =	sshrl.u32 s1, $0x2  }
0xb9: {  	s3 =	sand.u32 $0x4000, s31;
	s1 =	sadd.s32 s1, s30  }
0xba: {  	s0 =	sor.u32 s3, s0;
	s1 =	sshll.u32 s1, $0x11  }
0xbb: {  	s0 =	sor.u32 s1, s0  }
0xbc: {  	s0 =	sadd.s32 $0x8F2B, s0  }
0xbd: {  	[sflag:s0] =	ssyncadd.remote.s32 $0x1  }
0xbe: {  	_ =	sfence.sel $0xFFFF  }
0xbf: {  	[dreg:$0x0] =	wrdreg $0xFFFFFFFF;
	(pc) =	sbr.abs _section_cstart, $3  }
0xc0: {  	[dreg:$0x1] =	wrdreg $0xFFFFFFFF  }
0xc1: {  	_ =	task.clear_ibuf [dreg:s7], $0x2FFFF;
	_ =	strace $0x9FFFFFFF  }
0xc2: {  	(tm) =	ssettm $0x7FFFFFFF  }
0xc3: {  	_ =	shalt  }
tec
execute0_lowered:
.L_overlay_start_1:
0x0: {  	(tag) =	ssettag $0x1  }
0x1: {  	s4 =	rddreg [dreg:$0x0];
	s1 =	srdreg.scid  }
0x2: {  	s0 =	stileid.u32;
	s8 =	rddreg [dreg:$0x1];
	s2 =	simm.s32 $0x0  }
0x3: {  	s13 =	simm.s32 $0x5C00;
	s14 =	simm.s32 $0x1;
	s24 =	smul.u32 $0x190000, s0  }
0x4: {  	s15 =	simm.s32 $0x2;
	s7 =	sand.u32 $0x1, s1;
	s28 =	smul.u32 $0x32000, s0  }
0x5: {  	s16 =	simm.s32 $0x1880;
	s3 =	sshll.u32 s0, $0x1;
	s26 =	smul.u32 $0xC8000, s7  }
0x6: {  	s1 =	rddreg [dreg:$0x2];
	s5 =	sor.u32 s7, s3;
	s29 =	smul.u32 $0x19000, s7  }
0x7: {  	s17 =	simm.s32 $0x0;
	[smem:$0x7FF] =	sst s2;
	s6 =	smul.u32 $0x380, s5  }
0x8: {  	_ =	strace $0x80000047;
	s9 =	ssub.s32 $0x2, s7;
	s10 =	smul.u32 $0xC8000, s5  }
0x9: {  	s3 =	sadd.s32 $0xC00, s4;
	s11 =	sshrl.u32 s9, $0x1;
	s12 =	smul.u32 $0x19000, s5  }
0xa: {  	s23 =	ssub.s32 s9, s11;
	s9 =	sadd.s32 s26, s24;
	s11 =	sadd.s32 s28, s8  }
0xb: {  	s4 =	sadd.s32 s6, s4;
	s25 =	sshrl.u32 s10, $0x3;
	s5 =	smax.u32 s23, $0x1  }
0xc: {  	s30 =	sadd.s32 s8, s12;
	s9 =	sshrl.u32 s9, $0x3;
	s31 =	sadd.s32 s29, s11  }
0xd: {  	s10 =	simm.s32 $0x3;
	s11 =	simm.s32 $0x1C00;
	s12 =	simm.s32 $0x80  }
0xe: {  	s4 =	sadd.s32 $0x32C00, s4;
	s6 =	sadd.s32 s8, s25;
	s7 =	sadd.s32 $0x18800, s30  }
0xf: {  	s8 =	sadd.s32 s9, s8;
	s9 =	sadd.s32 $0x800, s31;
	s6 =	sadd.s32 $0x18000, s6  }
.LBB2_1:
0x10: {  	[tilespmem:s2], [sflag:$0x3] =	stream.linear.gather [hbm4b:s4+s2], $0x1900, $0x38;
	[tilespmem:$0x9C00] =	vst v63  }
0x11: {  	_ =	swait.ge [sflag:s10], $0x1900  }
0x12: {  	[sflag:s10] =	ssyncset.done $0x0  }
0x13: {  	[sflag:s10] =	ssyncadd.s32 $0xFFFFE700  }
0x14: {  	[tilespmem:s11], [sflag:$0x1] =	stream.indirect.gather [hbm4b:s3+s12], $0x80, s2, s12, $0xb8;
	[tilespmem:$0x9C00] =	vst v63  }
0x15: {  	_ = 	snop  }
0x16: {  	[tilespmem:s13], [sflag:$0x2] =	stream.indirect.gather [hbm4b:s3+s12], $0x80, s12, s12, $0xb8;
	[tilespmem:$0x9C00] =	vst v63  }
0x17: {  	_ =	swait.ge [sflag:s14], $0x4000  }
0x18: {  	[sflag:s14] =	ssyncset.done $0x0  }
0x19: {  	s18 =	sadd.s32 $0x0, s8;
	[sflag:s14] =	ssyncadd.s32 $0xFFFFC000  }
0x1a: {  	[hbm4b:s18+s2] =	stream.linear.scatter [tilespmem:s11], [sflag:$0x3], $0x4000, $0x38;
	[tilespmem:$0x9C00] =	vst v63  }
0x1b: {  	_ =	swait.ge [sflag:s10], $0x4000  }
0x1c: {  	[sflag:s10] =	ssyncset.done $0x0  }
0x1d: {  	s30 =	simm.s32 $0x100;
	[sflag:s10] =	ssyncadd.s32 $0xFFFFC000  }
0x1e: {  	[tilespmem:s11], [sflag:$0x1] =	stream.indirect.gather [hbm4b:s3+s12], $0x80, s30, s12, $0xb8;
	[tilespmem:$0x9C00] =	vst v63  }
0x1f: {  	_ =	swait.ge [sflag:s15], $0x4000  }
0x20: {  	[sflag:s15] =	ssyncset.done $0x0  }
0x21: {  	s31 =	sadd.s32 $0x0, s9;
	[sflag:s15] =	ssyncadd.s32 $0xFFFFC000  }
0x22: {  	[hbm4b:s31+s2] =	stream.linear.scatter [tilespmem:s13], [sflag:$0x3], $0x4000, $0x38;
	[tilespmem:$0x9C00] =	vst v63  }
0x23: {  	_ =	swait.ge [sflag:s10], $0x4000  }
0x24: {  	s19 =	simm.s32 $0x80;
	s18 =	simm.s32 $0x1000;
	[sflag:s10] =	ssyncset.done $0x0  }
.LBB2_2:
0x25: {  	p0 =	sne.s32 s18, $0x17000;
	[sflag:s10] =	ssyncadd.s32 $0xFFFFC000;
	s19 =	sadd.s32 $0x100, s19  }
0x26: {  	[tilespmem:s13], [sflag:$0x2] =	stream.indirect.gather [hbm4b:s3+s12], $0x80, s19, s12, $0xb8;
	[tilespmem:$0x9C00] =	vst v63  }
0x27: {  	s20 =	smov.u32 s18;
	s18 =	sadd.s32 $0x1000, s18;
	_ =	swait.ge [sflag:s14], $0x4000  }
0x28: {  	[sflag:s14] =	ssyncset.done $0x0  }
0x29: {  	s21 =	sadd.s32 s20, s8;
	[sflag:s14] =	ssyncadd.s32 $0xFFFFC000  }
0x2a: {  	[hbm4b:s21+s2] =	stream.linear.scatter [tilespmem:s11], [sflag:$0x3], $0x4000, $0x38;
	[tilespmem:$0x9C00] =	vst v63  }
0x2b: {  	_ =	swait.ge [sflag:s10], $0x4000  }
0x2c: {  	[sflag:s10] =	ssyncset.done $0x0  }
0x2d: {  	s21 =	sadd.s32 $0x80, s19;
	[sflag:s10] =	ssyncadd.s32 $0xFFFFC000  }
0x2e: {  	[tilespmem:s11], [sflag:$0x1] =	stream.indirect.gather [hbm4b:s3+s12], $0x80, s21, s12, $0xb8;
	[tilespmem:$0x9C00] =	vst v63  }
0x2f: {  	_ =	swait.ge [sflag:s15], $0x4000  }
.Ltmp0:
0x30: {  	[sflag:s15] =	ssyncset.done $0x0;
	(pc) =	sbr.rel @p0 .LBB2_2-.Ltmp0, $4  }
0x31: {  	s20 =	sadd.s32 s20, s9;
	[sflag:s15] =	ssyncadd.s32 $0xFFFFC000  }
0x32: {  	[hbm4b:s20+s2] =	stream.linear.scatter [tilespmem:s13], [sflag:$0x3], $0x4000, $0x38;
	[tilespmem:$0x9C00] =	vst v63  }
0x33: {  	_ =	swait.ge [sflag:s10], $0x4000  }
0x34: {  	[sflag:s10] =	ssyncset.done $0x0  }
0x35: {  	[sflag:s10] =	ssyncadd.s32 $0xFFFFC000  }
0x36: {  	[tilespmem:s13], [sflag:$0x2] =	stream.indirect.gather [hbm4b:s3+s12], $0x80, s16, s12, $0xb8;
	[tilespmem:$0x9C00] =	vst v63  }
0x37: {  	_ =	swait.ge [sflag:s14], $0x4000  }
0x38: {  	[sflag:s14] =	ssyncset.done $0x0  }
0x39: {  	[sflag:s14] =	ssyncadd.s32 $0xFFFFC000  }
0x3a: {  	[hbm4b:s6+s2] =	stream.linear.scatter [tilespmem:s11], [sflag:$0x3], $0x4000, $0x38;
	[tilespmem:$0x9C00] =	vst v63  }
0x3b: {  	_ =	swait.ge [sflag:s10], $0x4000  }
0x3c: {  	[sflag:s10] =	ssyncset.done $0x0  }
0x3d: {  	[sflag:s10] =	ssyncadd.s32 $0xFFFFC000  }
0x3e: {  	s17 =	sadd.s32 $0x1, s17;
	_ =	swait.ge [sflag:s15], $0x4000  }
0x3f: {  	p0 =	sne.s32 s17, s5;
	[sflag:s15] =	ssyncset.done $0x0  }
.Ltmp1:
0x40: {  	[sflag:s15] =	ssyncadd.s32 $0xFFFFC000;
	(pc) =	sbr.rel @p0 .LBB2_1-.Ltmp1, $4  }
0x41: {  	[hbm4b:s7+s2] =	stream.linear.scatter [tilespmem:s13], [sflag:$0x3], $0x4000, $0x38;
	[tilespmem:$0x9C00] =	vst v63  }
0x42: {  	_ =	swait.ge [sflag:s10], $0x4000  }
0x43: {  	[sflag:s10] =	ssyncset.done $0x0  }
0x44: {  	[sflag:s10] =	ssyncadd.s32 $0xFFFFC000  }
0x45: {  	_ =	sfence.sel $0x180000  }
0x46: {  	[bflag:$0x0] =	sbarrier.arrive $0xFFFF  }
0x47: {  	p0 =	sne.s32 s0, $0x0;
	_ =	strace $0x90000047  }
0x48: {  	s0 =	sadd.s32 @!p0 $0x100000, s1;
	[bflag:$0x2] =	sbarrier.arrive $0xFFFF  }
0x49: {  	[sflag:s0] =	ssyncadd.tile.s32 @!p0 $0x1;
	_ =	shalt  }
.Lfunc_end2:
_tile_overlayer_lowered:
.L_overlay_start_2:
0x4a: {  	(tag) =	ssettag $0x2  }
0x4b: {  	s0 =	rddreg [dreg:$0x0];
	s2 =	stileid.u32  }
0x4c: {  	s1 =	rddreg [dreg:$0x1];
	p0 =	sne.s32 s2, $0x0  }
0x4d: {  	s3 =	rddreg [dreg:$0x2];
	[bflag:$0x3] =	sbarrier.arrive $0xFFFF;
	s2 =	simm.s32 @!p0 $0x1C03  }
0x4e: {  	[timem:s3], [sflag:s2] =	dma.local @!p0 [hbm:s0], s1  }
0x4f: {  	s0 =	simm.s32 @!p0 $0x3  }
0x50: {  	_ =	swait.ge @!p0 [sflag:s0], s1  }
0x51: {  	s1 =	ssub.s32 @!p0 $0x0, s1;
	[sflag:s0] =	ssyncset.done @!p0 $0x0  }
0x52: {  	[sflag:s0] =	ssyncadd.s32 @!p0 s1  }
0x53: {  	[bflag:$0x3] =	sbarrier.arrive $0xFFFF  }
0x54: {  	_ =	shalt  }

// kernel: sparse-core-data-format-call.cloned.1.call-start
scs
called_computation_lowered:
.L_overlay_start_0:
0x0: {  	s2 =	sld [smem:$0x3FD9]  }
0x1: {  	s3 =	sld [smem:$0x3FFE];
	_ =	sdelay $0x1  }
0x2: {  	s1 =	srdreg.scid  }
0x3: {  	s0 =	sand.u32 $0x1, s1  }
0x4: {  	s18 =	sshll.u32 s0, $0xA;
	s2 =	sadd.s32 s3, s2  }
0x5: {  	s2 =	sadd.s32 s2, s18  }
0x6: {  	[smem:$0x3FC2] =	sst s2  }
0x7: {  	_ = 	snop  }
0x8: {  	s2 =	sld [smem:$0x3FD0];
	(tm) =	ssettm $0x1  }
0x9: {  	s19 =	sld [smem:$0x3FFB];
	_ =	sdelay $0x3  }
0xa: {  	_ =	strace s19  }
0xb: {  	s3 =	sld [smem:$0x3FFC];
	_ =	sdelay $0x3  }
0xc: {  	_ =	strace s3  }
0xd: {  	s3 =	sld [smem:$0x3FFD];
	_ =	sdelay $0x3  }
0xe: {  	_ =	strace s3  }
0xf: {  	_ =	strace $0x8FFFFFFF  }
0x10: {  	s20 =	sld [smem:$0x3FDB];
	_ =	sdelay $0x1  }
0x11: {  	s4 =	simm.s32 $_scs_section_size  }
0x12: {  	s5 =	simm.s32 $_size__tile_overlayer_lowered;
	s6 =	simm.s32 $_tile_overlayer_lowered  }
0x13: {  	s23 =	simm.s32 $0x1BFF;
	s22 =	sshll.u32 s6, $0x1;
	s3 =	sadd.s32 s4, s20  }
0x14: {  	s7 =	simm.s32 $0x0;
	s21 =	sshll.u32 s5, $0x1;
	s5 =	sadd.s32 s22, s3  }
0x15: {  	[timem:s7], [sflag:s23] =	dma.local [hbm:s5], s21  }
0x16: {  	_ =	swait.ge [sflag:s23], s21  }
0x17: {  	s4 =	ssub.s32 $0x0, s21;
	[sflag:s23] =	ssyncset.done $0x0  }
0x18: {  	[sflag:s23] =	ssyncadd.s32 s4;
	_ =	sdelay $0x1  }
0x19: {  	s24 =	simm.s32 $0x1B8B  }
0x1a: {  	_ =	swait.ge [sflag:s24], $0x1  }
0x1b: {  	[sflag:s24] =	ssyncset.done $0x0  }
0x1c: {  	s26 =	simm.s32 $0x1B8E;
	s25 =	sld [smem:$0x3FFE];
	[sflag:s24] =	ssyncadd.s32 $0xFFFFFFFF  }
0x1d: {  	s27 =	simm.s32 $execute0_lowered;
	[smem:$0x3FD2] =	sst s26  }
0x1e: {  	s5 =	sshll.u32 s27, $0x1;
	_ =	strace $0x80000049;
	[dreg:$0x1] =	wrdreg $0xFFFFFFFF  }
0x1f: {  	s28 =	simm.s32 $_size_execute0_lowered;
	s3 =	sadd.s32 s3, s5;
	[dreg:$0x0] =	wrdreg $0x0  }
0x20: {  	s5 =	sshll.u32 s28, $0x1;
	[dreg:$0x2] =	wrdreg s3  }
0x21: {  	[dreg:$0x3] =	wrdreg s5  }
0x22: {  	[dreg:$0x4] =	wrdreg $0xC0  }
0x23: {  	_ =	task [dreg:s7], $0x5FFFF  }
0x24: {  	[dreg:$0x1] =	wrdreg $0xFFFFFFFF  }
0x25: {  	[dreg:$0x0] =	wrdreg $0x60  }
0x26: {  	[dreg:$0x2] =	wrdreg s25  }
0x27: {  	[dreg:$0x3] =	wrdreg s2  }
0x28: {  	[dreg:$0x4] =	wrdreg $0x9  }
0x29: {  	_ =	task.clear_ibuf [dreg:s7], $0x5FFFF;
	_ =	strace $0x90000049  }
0x2a: {  	s29 =	simm.s32 $0x9;
	_ =	strace $0x8000004B  }
0x2b: {  	_ =	swait.ge [sflag:s29], $0x1  }
0x2c: {  	[sflag:s29] =	ssyncadd.s32 $0xFFFFFFFF  }
0x2d: {  	_ =	strace $0x9000004B  }
0x2e: {  	_ =	sfence  }
0x2f: {  	s30 =	sld [smem:$0x0];
	_ =	sdelay $0x2  }
0x30: {  	s31 =	sshll.u32 s1, $0xD;
	s1 =	sshrl.u32 s1, $0x2  }
0x31: {  	s3 =	sand.u32 $0x4000, s31;
	s1 =	sadd.s32 s1, s30  }
0x32: {  	s0 =	sor.u32 s3, s0;
	s1 =	sshll.u32 s1, $0x11  }
0x33: {  	s0 =	sor.u32 s1, s0  }
0x34: {  	s0 =	sadd.s32 $0x8F2B, s0  }
0x35: {  	[sflag:s0] =	ssyncadd.remote.s32 $0x1  }
0x36: {  	_ =	sfence.sel $0xFFFF  }
0x37: {  	[dreg:$0x0] =	wrdreg $0xFFFFFFFF;
	(pc) =	sbr.abs _section_cstart, $3  }
0x38: {  	[dreg:$0x1] =	wrdreg $0xFFFFFFFF  }
0x39: {  	_ =	task.clear_ibuf [dreg:s7], $0x2FFFF;
	_ =	strace $0x9FFFFFFF  }
0x3a: {  	(tm) =	ssettm $0x7FFFFFFF  }
0x3b: {  	_ =	shalt  }
tec
execute0_lowered:
.L_overlay_start_1:
0x0: {  	(tag) =	ssettag $0x1  }
0x1: {  	s0 =	srdreg.scid  }
0x2: {  	s1 =	sshll.u32 s0, $0x4  }
0x3: {  	s0 =	stileid.u32;
	s1 =	sand.u32 $0x10, s1  }
0x4: {  	s1 =	sor.u32 s0, s1  }
0x5: {  	s6 =	rddreg [dreg:$0x0];
	s4 =	simm.s32 $0x1;
	s2 =	sshll.u32 s1, $0x6  }
0x6: {  	s7 =	simm.s32 $0x2;
	s13 =	simm.s32 $0x0;
	s1 =	ssub.s32 $0x1000, s2  }
0x7: {  	s8 =	simm.s32 $0x2000;
	s9 =	simm.s32 $0x80000;
	s3 =	sand.u32 $0x7C0, s1  }
0x8: {  	s14 =	simm.s32 $0x0;
	s5 =	sshrl.u32 s1, $0xB;
	p0 =	sne.s32 s3, $0x0  }
.Ltmp0:
0x9: {  	s1 =	rddreg [dreg:$0x2];
	s4 =	simm.s32 @!p0 $0x0;
	(pc) =	sbr.rel .LBB1_1-.Ltmp0, $4  }
0xa: {  	s10 =	simm.s32 $0x0;
	s3 =	rddreg [dreg:$0x1];
	s5 =	sadd.s32 s4, s5  }
0xb: {  	_ =	strace $0x8000004A;
	s4 =	simm.s32 $0x1;
	s5 =	smul.u32 $0x19, s5  }
0xc: {  	s12 =	simm.s32 $0x0;
	s6 =	sadd.s32 $0xC00, s6;
	[sflag:s4] =	ssyncpa.u1 $0x0  }
0xd: {  	s11 =	smov.u32 s2;
	[sflag:s7] =	ssyncpa.u1 $0x0;
	s7 =	sadd.s32 $0x1, s5  }
.LBB1_7:
0xe: {  	s15 =	sadd.s32 $0x2, s10  }
0xf: {  	s13 =	sadd.s32 $0x800, s11;
	s17 =	smov.u32 s11;
	p1 =	sgt.s32 s15, $0x31  }
0x10: {  	s17 =	smov.u32 @p1 s13  }
0x11: {  	s15 =	simm.s32 @p1 $0x0;
	p1 =	sgt.s32 s17, $0xFFF  }
0x12: {  	s17 =	smov.u32 @p1 s2;
	p1 =	sne.s32 s12, s7  }
.Ltmp1:
0x13: {  	p0 =	slt.u32 s12, $0x2;
	(pc) =	sbr.rel @!p1 .LBB1_8-.Ltmp1, $4  }
0x14: {  	s16 =	simm.s32 @!p0 $0x2  }
0x15: {  	s14 =	smov.u32 s11;
	_ =	swait.ge @!p0 [sflag:s16], $0x4000  }
0x16: {  	s13 =	smov.u32 s10;
	[sflag:s16] =	ssyncset.done @!p0 $0x0;
	s10 =	smov.u32 s15  }
0x17: {  	s12 =	sadd.s32 $0x1, s12;
	[sflag:s16] =	ssyncadd.s32 @!p0 $0xFFFFC000;
	s11 =	smov.u32 s17  }
.LBB1_1:
0x18: {  	p0 =	sge.u32 s12, s5  }
0x19: {  	s15 =	sand.u32 @!p0 $0x1FFFFFF, s10  }
0x1a: {  	s16 =	smulhi.u32 @!p0 $0x4924925, s15;
	_ =	sdelay $0x1  }
0x1b: {  	s16 =	smul.u32 @!p0 $0x38, s16  }
0x1c: {  	s17 =	sxor.u32 @!p0 $0xFFFFFFFF, s12;
	s18 =	smul.u32 @!p0 $0x380, s11  }
0x1d: {  	s31 =	sadd.s32 $0xFFFFFFFF, s12;
	s17 =	sshll.u32 @!p0 s17, $0xE;
	s15 =	ssub.s32 @!p0 s15, s16  }
0x1e: {  	s16 =	sand.u32 @!p0 $0x4000, s17;
	s17 =	sadd.s32 @!p0 s6, s18;
	s15 =	sshll.u32 @!p0 s15, $0x4  }
0x1f: {  	s18 =	simm.s32 @!p0 $0x1C00;
	s15 =	sadd.s32 @!p0 s15, s17;
	s17 =	simm.s32 @!p0 $0x100  }
0x20: {  	[tilespmem:s16], [sflag:$0x1] =	stream.strided.gather @!p0 [hbm4b:s15+s17], $0x4000, s18, s17, $0x38;
	[tilespmem:$0x10000] =	vst v63  }
0x21: {  	p0 =	sge.u32 s31, s5  }
.Ltmp2:
0x22: {  	_ = 	snop;
	(pc) =	sbr.rel @p0 .LBB1_7-.Ltmp2, $1  }
0x23: {  	_ =	sdelay $0x3  }
0x24: {  	_ =	swait.ge [sflag:s4], $0x4000;
	s15 =	sshll.u32 s12, $0xE  }
0x25: {  	[sflag:s4] =	ssyncset.done $0x0;
	s16 =	sand.u32 $0x4000, s15  }
0x26: {  	s17 =	simm.s32 $0x0;
	[sflag:s4] =	ssyncadd.s32 $0xFFFFC000;
	s15 =	sor.u32 $0x8000, s16  }
.LBB1_3:
0x27: {  	s18 =	sshll.u32 s17, $0x8  }
0x28: {  	s18 =	sand.u32 $0x3FFFFF00, s18  }
0x29: {  	s19 =	sshll.u32 s17, $0x7;
	s18 =	sadd.s32 s18, s16  }
0x2a: {  	s19 =	sand.u32 $0x3FFFFF80, s19;
	v0 =	vmov s18  }
0x2b: {  	s19 =	sadd.s32 s19, s15  }
0x2c: {  	p0 =	por $0x1, $0x1;
	v1 =	vmov s19;
	s18 =	simm.s32 $0x0  }
.LBB1_4:
0x2d: {  	s19 =	sshll.u32 s18, $0x7  }
0x2e: {  	s19 =	sand.u32 $0x3FFFFF80, s19  }
0x2f: {  	v2 =	vld.idx.msk [tilespmem:v0+s19+$0x0 ss:$0x1], $0xffff  }
0x30: {  	v3 =	vld.idx.msk [tilespmem:v0+s19+$0x10 ss:$0x1], $0xffff  }
0x31: {  	v4 =	vld.idx.msk [tilespmem:v0+s19+$0x20 ss:$0x1], $0xffff  }
0x32: {  	s31 =	sshll.u32 s18, $0xD;
	v5 =	vld.idx.msk [tilespmem:v0+s19+$0x30 ss:$0x1], $0xffff  }
0x33: {  	s18 =	sand.u32 $0x3FFFE000, s31;
	v6 =	vld.idx.msk [tilespmem:v0+s19+$0x40 ss:$0x1], $0xffff  }
0x34: {  	v63 =	vld.idx.msk [tilespmem:v0+s19+$0x70 ss:$0x1], $0xffff;
	[tilespmem:v1+s18+$0x0 ss:$0x1] =	vst.idx.msk $0xffff, v2  }
0x35: {  	v2 =	vld.idx.msk [tilespmem:v0+s19+$0x50 ss:$0x1], $0xffff;
	[tilespmem:v1+s18+$0x10 ss:$0x1] =	vst.idx.msk $0xffff, v3  }
0x36: {  	p1 =	por p0, p0;
	v3 =	vld.idx.msk [tilespmem:v0+s19+$0x60 ss:$0x1], $0xffff;
	[tilespmem:v1+s18+$0x20 ss:$0x1] =	vst.idx.msk $0xffff, v4  }
.Ltmp3:
0x37: {  	[tilespmem:v1+s18+$0x30 ss:$0x1] =	vst.idx.msk $0xffff, v5;
	(pc) =	sbr.rel @p1 .LBB1_4-.Ltmp3, $4  }
0x38: {  	[tilespmem:v1+s18+$0x40 ss:$0x1] =	vst.idx.msk $0xffff, v6  }
0x39: {  	[tilespmem:v1+s18+$0x70 ss:$0x1] =	vst.idx.msk $0xffff, v63  }
0x3a: {  	[tilespmem:v1+s18+$0x50 ss:$0x1] =	vst.idx.msk $0xffff, v2  }
0x3b: {  	p0 =	por $0x0, $0x0;
	[tilespmem:v1+s18+$0x60 ss:$0x1] =	vst.idx.msk $0xffff, v3;
	s18 =	simm.s32 $0x1  }
0x3c: {  	s17 =	sadd.s32 $0x1, s17  }
0x3d: {  	p0 =	sne.s32 s17, $0x40  }
.Ltmp4:
0x3e: {  	_ = 	snop;
	(pc) =	sbr.rel @p0 .LBB1_3-.Ltmp4, $1  }
0x3f: {  	_ =	sdelay $0x3  }
.Ltmp5:
0x40: {  	s14 =	sshll.u32 s14, $0x4;
	(pc) =	sbr.rel .LBB1_7-.Ltmp5, $4  }
0x41: {  	s14 =	sand.u32 $0xFFF0, s14  }
0x42: {  	s13 =	sshll.u32 s13, $0x10;
	s14 =	sadd.s32 s3, s14  }
0x43: {  	s13 =	sadd.s32 s13, s14  }
0x44: {  	[hbm4b:s13+s8] =	stream.strided.scatter [tilespmem:s15], [sflag:$0x2], $0x4000, s9, s8, $0x38;
	[tilespmem:$0x10000] =	vst v63  }
.LBB1_8:
0x45: {  	_ =	sfence.sel $0x180000  }
0x46: {  	s2 =	simm.s32 $0x1;
	[bflag:$0x0] =	sbarrier.arrive $0xFFFF  }
0x47: {  	s31 =	simm.s32 $0x2;
	[sflag:s2] =	ssyncpa.u1 $0x1  }
0x48: {  	[sflag:s31] =	ssyncpa.u1 $0x1  }
0x49: {  	p0 =	sne.s32 s0, $0x0;
	_ =	strace $0x9000004A  }
0x4a: {  	s0 =	sadd.s32 @!p0 $0x100000, s1;
	[bflag:$0x2] =	sbarrier.arrive $0xFFFF  }
0x4b: {  	[sflag:s0] =	ssyncadd.tile.s32 @!p0 $0x1;
	_ =	shalt  }
.Lfunc_end1:
_tile_overlayer_lowered:
.L_overlay_start_2:
0x4c: {  	(tag) =	ssettag $0x2  }
0x4d: {  	s0 =	rddreg [dreg:$0x0];
	s2 =	stileid.u32  }
0x4e: {  	s1 =	rddreg [dreg:$0x1];
	p0 =	sne.s32 s2, $0x0  }
0x4f: {  	s3 =	rddreg [dreg:$0x2];
	[bflag:$0x3] =	sbarrier.arrive $0xFFFF;
	s2 =	simm.s32 @!p0 $0x1C01  }
0x50: {  	[timem:s3], [sflag:s2] =	dma.local @!p0 [hbm:s0], s1  }
0x51: {  	s0 =	simm.s32 @!p0 $0x1  }
0x52: {  	_ =	swait.ge @!p0 [sflag:s0], s1  }
0x53: {  	s1 =	ssub.s32 @!p0 $0x0, s1;
	[sflag:s0] =	ssyncset.done @!p0 $0x0  }
0x54: {  	[sflag:s0] =	ssyncadd.s32 @!p0 s1  }
0x55: {  	[bflag:$0x3] =	sbarrier.arrive $0xFFFF  }
0x56: {  	_ =	shalt  }

</sc_bundles>
